<compile_context>
chip_gen: v7x
topology: tpu7x:2x2x1
jax: 0.10.2.dev20260603
libtpu: 0.0.44.dev20260713+nightly
codegen_flags: <defaults>
</compile_context>

<pallas_src>
import functools

import jax
import jax.numpy as jnp
from jax import lax
from jax.experimental import pallas as pl
from jax.experimental.pallas import tpu as pltpu
from jax.experimental.pallas import tpu_sc as plsc

N_EMB = 8192
D_EMB = 256
N_TOK = 8192
LOSS_BETA = 0.25

TOK_TILE = 256
T_STEPS = N_TOK // TOK_TILE


@functools.cache
def _sc_info():
    info = plsc.get_sparse_core_info()
    nc, ns = info.num_cores, info.num_subcores
    nw = nc * ns
    return nc, ns, nw, N_TOK // nw, (N_TOK // nw) // 128


@functools.cache
def _gather_hist_fn():
    nc, ns, nw, b_per_w, idx_rows_w = _sc_info()

    def body(table_hbm, idx_hbm, zeros_hbm, quant_hbm, counts_hbm,
             idx_v, rows_v, ones_v, shared, sems):
        cid = lax.axis_index("c")
        sid = lax.axis_index("s")
        wid = sid * nc + cid
        base = wid * b_per_w

        pltpu.sync_copy(idx_hbm.at[pl.ds(wid * idx_rows_w, idx_rows_w)], idx_v)

        cps = [
            pltpu.async_copy(
                table_hbm.at[idx_v.at[j]],
                rows_v.at[pl.ds(j * 128, 128)],
                sems.at[j],
            )
            for j in range(idx_rows_w)
        ]

        def _fill_ones(i, _):
            ones_v[pl.ds(i * 16, 16)] = jnp.full((16,), 1.0, jnp.float32)
            return 0
        lax.fori_loop(0, 128 // 16, _fill_ones, 0)

        @pl.when(sid == 0)
        def _init_bins():
            pltpu.sync_copy(zeros_hbm, shared)

        plsc.subcore_barrier()
        for j in range(idx_rows_w):
            pltpu.sync_copy(ones_v, shared.at[idx_v.at[j]], add=True)

        for cp in cps:
            cp.wait()
        pltpu.sync_copy(rows_v, quant_hbm.at[pl.ds(base, b_per_w)])

        plsc.subcore_barrier()

        @pl.when(sid == 0)
        def _export():
            pltpu.sync_copy(shared, counts_hbm.at[cid])

    mesh = plsc.VectorSubcoreMesh(core_axis_name="c", subcore_axis_name="s")
    return pl.kernel(
        body,
        out_type=[
            jax.ShapeDtypeStruct((N_TOK, D_EMB), jnp.float32),
            jax.ShapeDtypeStruct((nc, N_EMB), jnp.float32),
        ],
        mesh=mesh,
        scratch_types=[
            pltpu.VMEM((idx_rows_w, 128), jnp.int32),
            pltpu.VMEM((b_per_w, D_EMB), jnp.float32),
            pltpu.VMEM((128,), jnp.float32),
            pltpu.VMEM_SHARED((N_EMB,), jnp.float32),
            pltpu.SemaphoreType.DMA((idx_rows_w,)),
        ],
    )


def _loss_perp_body(quant_ref, flat_ref, counts_ref, loss_ref, perp_ref, acc):
    t = pl.program_id(0)
    diff = quant_ref[...] - flat_ref[...]
    part = jnp.sum(diff * diff)

    @pl.when(t == 0)
    def _zero():
        acc[...] = jnp.zeros((1, 1), jnp.float32)

    acc[...] += part.reshape(1, 1)

    @pl.when(t == T_STEPS - 1)
    def _final():
        loss_ref[...] = acc[...] * ((1.0 + LOSS_BETA) / (N_TOK * D_EMB))
        c = jnp.sum(counts_ref[...], axis=0, keepdims=True)
        p = c * (1.0 / N_TOK)
        ent = jnp.sum(p * jnp.log(p + 1e-10))
        perp_ref[...] = jnp.exp(-ent).reshape(1, 1)


def _loss_and_perplexity(quant, flat, counts):
    nc = counts.shape[0]
    return pl.pallas_call(
        _loss_perp_body,
        grid=(T_STEPS,),
        in_specs=[
            pl.BlockSpec((TOK_TILE, D_EMB), lambda t: (t, 0)),
            pl.BlockSpec((TOK_TILE, D_EMB), lambda t: (t, 0)),
            pl.BlockSpec((nc, N_EMB), lambda t: (0, 0)),
        ],
        out_specs=[
            pl.BlockSpec((1, 1), lambda t: (0, 0)),
            pl.BlockSpec((1, 1), lambda t: (0, 0)),
        ],
        out_shape=[
            jax.ShapeDtypeStruct((1, 1), jnp.float32),
            jax.ShapeDtypeStruct((1, 1), jnp.float32),
        ],
        scratch_shapes=[pltpu.VMEM((1, 1), jnp.float32)],
    )(quant, flat, counts)


def kernel(x, embeddings):
    z_e_x = jnp.transpose(x, (0, 2, 3, 1))
    flat = z_e_x.reshape(N_TOK, D_EMB)

    distances = (
        jnp.sum(flat ** 2, axis=1, keepdims=True)
        + jnp.sum(embeddings ** 2, axis=0)
        - 2.0 * jnp.matmul(flat, embeddings)
    )
    idx = jnp.argmin(distances, axis=1)

    emb_t = embeddings.T
    idx_rows = idx.reshape(N_TOK // 128, 128)
    zeros = jnp.zeros((N_EMB,), jnp.float32)
    quant, counts = _gather_hist_fn()(emb_t, idx_rows, zeros)

    loss2d, perp2d = _loss_and_perplexity(quant, flat, counts)

    loss = loss2d.reshape(())
    perplexity = perp2d.reshape(())
    out_quantized = jnp.transpose(
        quant.reshape(8, 32, 32, D_EMB), (0, 3, 1, 2))
    out_indices = idx.reshape(8, 32, 32)
    return (loss, out_quantized, perplexity, out_indices)

# --- scband reference (transcript-rebuilt; emitter-appended) ---
"""Pipeline reference for scband-vector-quantizer-1563368096095 (READ-ONLY COPY).

The authoritative reference and input builder live on the scoring server;
editing this copy changes nothing except your own understanding.
"""

import jax, jax.numpy as jnp
import numpy as np

NUM_EMBEDDINGS = 8192
EMBEDDING_DIM = 256
BETA = 0.25


def setup_inputs(seed: int = 0) -> dict:
    key = jax.random.key(seed)
    k1, k2 = jax.random.split(key)
    x = jax.random.normal(k1, (8, EMBEDDING_DIM, 32, 32), dtype=jnp.float32)
    # learned codebook parameter, shape (embedding_dim, num_embeddings) as in torch module
    embeddings = jax.random.normal(k2, (EMBEDDING_DIM, NUM_EMBEDDINGS), dtype=jnp.float32)
    return {"x": x, "embeddings": embeddings}


def reference(x, embeddings):
    # x: [B, C, H, W] -> [B, H, W, C]
    z_e_x = jnp.transpose(x, (0, 2, 3, 1))
    flat = z_e_x.reshape(-1, EMBEDDING_DIM)
    # squared L2 distances to all codebook entries
    distances = (
        jnp.sum(flat ** 2, axis=1, keepdims=True)
        + jnp.sum(embeddings ** 2, axis=0)
        - 2.0 * jnp.matmul(flat, embeddings)
    )
    encoding_indices = jnp.argmin(distances, axis=1)
    encodings = jax.nn.one_hot(encoding_indices, NUM_EMBEDDINGS, dtype=x.dtype)
    quantized = jnp.matmul(encodings, embeddings.T).reshape(z_e_x.shape)
    e_latent_loss = jnp.mean((jax.lax.stop_gradient(quantized) - z_e_x) ** 2)
    q_latent_loss = jnp.mean((quantized - jax.lax.stop_gradient(z_e_x)) ** 2)
    loss = q_latent_loss + BETA * e_latent_loss
    # straight-through estimator
    quantized_st = z_e_x + jax.lax.stop_gradient(quantized - z_e_x)
    avg_probs = jnp.mean(encodings, axis=0)
    perplexity = jnp.exp(-jnp.sum(avg_probs * jnp.log(avg_probs + 1e-10)))
    out_quantized = jnp.transpose(quantized_st, (0, 3, 1, 2))
    out_indices = encoding_indices.reshape(z_e_x.shape[:-1])
    return (loss, out_quantized, perplexity, out_indices)

if __name__ == "__main__":
    import jax
    _d = setup_inputs()
    print(jax.jit(kernel)(*tuple(_d.values())))

</pallas_src>

<mosaic_0001>
#map = affine_map<(d0, d1) -> (0, 0)>
#map1 = affine_map<(d0, d1) -> (0)>
module attributes {stable_mosaic.version = 14 : i64} {
  func.func @body(%arg0: i32, %arg1: i32, %arg2: memref<8192x256xf32, #tpu.memory_space<hbm>>, %arg3: memref<64x128xi32, #tpu.memory_space<hbm>>, %arg4: memref<8192xf32, #tpu.memory_space<hbm>>, %arg5: memref<8192x256xf32, #tpu.memory_space<hbm>>, %arg6: memref<2x8192xf32, #tpu.memory_space<hbm>>, %arg7: memref<2x128xi32, #tpu.memory_space<vmem>>, %arg8: memref<256x256xf32, #tpu.memory_space<vmem>>, %arg9: memref<128xf32, #tpu.memory_space<vmem>>, %arg10: memref<8192xf32, #tpu.memory_space<vmem_shared>>, %arg11: memref<2x!tpu.dma_semaphore, #tpu.memory_space<semaphore_mem>>) attributes {dimension_semantics = [#tpu.dimension_semantics<core_parallel>, #tpu.dimension_semantics<subcore_parallel>], iteration_bounds = array<i64: 2, 16>, scalar_prefetch = 0 : i64, scratch_operands = 5 : i64, tpu.core_type = #tpu.core_type<sc_vector_subcore>, window_params = [{transform_indices = #map}, {transform_indices = #map}, {transform_indices = #map1}, {transform_indices = #map}, {transform_indices = #map}]} {
    %mul3A = arith.constant 2 : i32
    %mul3A_0 = arith.muli %arg1, %mul3A : i32
    %add3A = arith.addi %mul3A_0, %arg0 : i32
    %mul3A_1 = arith.constant 256 : i32
    %mul3A_2 = arith.muli %add3A, %mul3A_1 : i32
    %mul3A_3 = arith.constant 2 : i32
    %mul3A_4 = arith.muli %add3A, %mul3A_3 : i32
    "tpu.region"() ({
      %run_scoped3A_70 = tpu.sem_alloc : memref<!tpu.dma_semaphore, #tpu.memory_space<semaphore_mem>>
      %dma_start3A_71 = arith.constant 0 : i32
      %dma_start3A_72 = tpu.memref_slice %arg3[%mul3A_4, %dma_start3A_71] : memref<64x128xi32, #tpu.memory_space<hbm>> -> memref<2x128xi32, #tpu.memory_space<hbm>>
      %dma_start3A_73 = arith.constant 0 : i32
      %dma_start3A_74 = tpu.memref_slice %arg3[%mul3A_4, %dma_start3A_73] : memref<64x128xi32, #tpu.memory_space<hbm>> -> memref<2x128xi32, #tpu.memory_space<hbm>>
      tpu.enqueue_dma source(%dma_start3A_74 : memref<2x128xi32, #tpu.memory_space<hbm>>) target(%arg7 : memref<2x128xi32, #tpu.memory_space<vmem>>) target_semaphore(%run_scoped3A_70 : memref<!tpu.dma_semaphore, #tpu.memory_space<semaphore_mem>>)
      %dma_wait3A_75 = arith.constant 0 : i32
      %dma_wait3A_76 = tpu.memref_slice %arg3[%mul3A_4, %dma_wait3A_75] : memref<64x128xi32, #tpu.memory_space<hbm>> -> memref<2x128xi32, #tpu.memory_space<hbm>>
      %dma_wait3A_77 = arith.constant 0 : i32
      %dma_wait3A_78 = tpu.memref_slice %arg3[%mul3A_4, %dma_wait3A_77] : memref<64x128xi32, #tpu.memory_space<hbm>> -> memref<2x128xi32, #tpu.memory_space<hbm>>
      tpu.wait_dma2 semaphore(%run_scoped3A_70 : memref<!tpu.dma_semaphore, #tpu.memory_space<semaphore_mem>>) src(%dma_wait3A_78 : memref<2x128xi32, #tpu.memory_space<hbm>>) dst(%arg7 : memref<2x128xi32, #tpu.memory_space<vmem>>)
      tpu.yield
    }) : () -> ()
    %dma_start3A = arith.constant 0 : i32
    %dma_start3A_5 = arith.constant 0 : i32
    %dma_start3A_6 = arith.constant 0 : i32
    %dma_start3A_7 = arith.constant 0 : i32
    %dma_start3A_8 = tpu.memref_slice %arg8[%dma_start3A_6, %dma_start3A_7] : memref<256x256xf32, #tpu.memory_space<vmem>> -> memref<128x256xf32, #tpu.memory_space<vmem>>
    %dma_start3A_9 = arith.constant 0 : i32
    %dma_start3A_10 = tpu.memref_slice %arg7[%dma_start3A, %dma_start3A_9] : memref<2x128xi32, #tpu.memory_space<vmem>> -> memref<1x128xi32, #tpu.memory_space<vmem>>
    %dma_start3A_11 = tpu.memref_squeeze %dma_start3A_10 : memref<1x128xi32, #tpu.memory_space<vmem>> -> memref<128xi32, #tpu.memory_space<vmem>>
    %dma_start3A_12 = arith.constant 0 : i32
    %dma_start3A_13 = arith.constant 0 : i32
    %dma_start3A_14 = tpu.memref_slice %arg2[%dma_start3A_12, %dma_start3A_13] : memref<8192x256xf32, #tpu.memory_space<hbm>> -> memref<8192x256xf32, #tpu.memory_space<hbm>>
    %dma_start3A_15 = tpu.memref_slice %arg11[%dma_start3A_5] : memref<2x!tpu.dma_semaphore, #tpu.memory_space<semaphore_mem>> -> memref<1x!tpu.dma_semaphore, #tpu.memory_space<semaphore_mem>>
    %dma_start3A_16 = tpu.memref_squeeze %dma_start3A_15 : memref<1x!tpu.dma_semaphore, #tpu.memory_space<semaphore_mem>> -> memref<!tpu.dma_semaphore, #tpu.memory_space<semaphore_mem>>
    tpu.enqueue_indirect_dma source(%dma_start3A_14 : memref<8192x256xf32, #tpu.memory_space<hbm>>) target(%dma_start3A_8 : memref<128x256xf32, #tpu.memory_space<vmem>>) offsets(%dma_start3A_11 : memref<128xi32, #tpu.memory_space<vmem>>) semaphore(%dma_start3A_16 : memref<!tpu.dma_semaphore, #tpu.memory_space<semaphore_mem>>)
    %dma_start3A_17 = arith.constant 1 : i32
    %dma_start3A_18 = arith.constant 1 : i32
    %dma_start3A_19 = arith.constant 128 : i32
    %dma_start3A_20 = arith.constant 0 : i32
    %dma_start3A_21 = tpu.memref_slice %arg8[%dma_start3A_19, %dma_start3A_20] : memref<256x256xf32, #tpu.memory_space<vmem>> -> memref<128x256xf32, #tpu.memory_space<vmem>>
    %dma_start3A_22 = arith.constant 0 : i32
    %dma_start3A_23 = tpu.memref_slice %arg7[%dma_start3A_17, %dma_start3A_22] : memref<2x128xi32, #tpu.memory_space<vmem>> -> memref<1x128xi32, #tpu.memory_space<vmem>>
    %dma_start3A_24 = tpu.memref_squeeze %dma_start3A_23 : memref<1x128xi32, #tpu.memory_space<vmem>> -> memref<128xi32, #tpu.memory_space<vmem>>
    %dma_start3A_25 = arith.constant 0 : i32
    %dma_start3A_26 = arith.constant 0 : i32
    %dma_start3A_27 = tpu.memref_slice %arg2[%dma_start3A_25, %dma_start3A_26] : memref<8192x256xf32, #tpu.memory_space<hbm>> -> memref<8192x256xf32, #tpu.memory_space<hbm>>
    %dma_start3A_28 = tpu.memref_slice %arg11[%dma_start3A_18] : memref<2x!tpu.dma_semaphore, #tpu.memory_space<semaphore_mem>> -> memref<1x!tpu.dma_semaphore, #tpu.memory_space<semaphore_mem>>
    %dma_start3A_29 = tpu.memref_squeeze %dma_start3A_28 : memref<1x!tpu.dma_semaphore, #tpu.memory_space<semaphore_mem>> -> memref<!tpu.dma_semaphore, #tpu.memory_space<semaphore_mem>>
    tpu.enqueue_indirect_dma source(%dma_start3A_27 : memref<8192x256xf32, #tpu.memory_space<hbm>>) target(%dma_start3A_21 : memref<128x256xf32, #tpu.memory_space<vmem>>) offsets(%dma_start3A_24 : memref<128xi32, #tpu.memory_space<vmem>>) semaphore(%dma_start3A_29 : memref<!tpu.dma_semaphore, #tpu.memory_space<semaphore_mem>>)
    %scan3A = arith.constant 0 : i32
    %scan3A_30 = arith.constant 0 : i32
    %scan3A_31 = arith.constant 8 : i32
    %scan3A_32 = arith.addi %scan3A_30, %scan3A_31 : i32
    %scan3A_33 = arith.constant 1 : i32
    %scan3A_34 = scf.for %scan3A_70 = %scan3A_30 to %scan3A_32 step %scan3A_33 iter_args(%scan3A_71 = %scan3A) -> (i32)  : i32 {
      %broadcast_in_dim3A = arith.constant 1.000000e+00 : f32
      %broadcast_in_dim3A_72 = vector.broadcast %broadcast_in_dim3A : f32 to vector<16xf32>
      %mul3A_73 = arith.constant 16 : i32
      %mul3A_74 = arith.muli %scan3A_70, %mul3A_73 : i32
      %swap3A = arith.index_cast %mul3A_74 : i32 to index
      %swap3A_75 = tpu.vector_load %arg9[%swap3A] {strides = array<i32>} : memref<128xf32, #tpu.memory_space<vmem>>, vector<16xf32>,
      %swap3A_76 = vector.shape_cast %swap3A_75 : vector<16xf32> to vector<16xf32>
      %swap3A_77 = vector.shape_cast %broadcast_in_dim3A_72 : vector<16xf32> to vector<16xf32>
      tpu.vector_store %arg9[%swap3A], %swap3A_77 {strides = array<i32>} : memref<128xf32, #tpu.memory_space<vmem>>, vector<16xf32>,
      %scan3A_78 = arith.constant 0 : i32
      scf.yield %scan3A_78 : i32
    }
    %scan3A_35 = arith.constant 8 : i32
    %eq3A = arith.constant 0 : i32
    %eq3A_36 = arith.cmpi eq, %arg1, %eq3A : i32
    %convert_element_type3A = arith.extui %eq3A_36 : i1 to i32
    %cond3A = arith.constant 0 : i32
    %cond3A_37 = arith.cmpi ne, %convert_element_type3A, %cond3A : i32
    scf.if %cond3A_37 {
      "tpu.region"() ({
        %run_scoped3A_70 = tpu.sem_alloc : memref<!tpu.dma_semaphore, #tpu.memory_space<semaphore_mem>>
        tpu.enqueue_dma source(%arg4 : memref<8192xf32, #tpu.memory_space<hbm>>) target(%arg10 : memref<8192xf32, #tpu.memory_space<vmem_shared>>) target_semaphore(%run_scoped3A_70 : memref<!tpu.dma_semaphore, #tpu.memory_space<semaphore_mem>>)
        tpu.wait_dma2 semaphore(%run_scoped3A_70 : memref<!tpu.dma_semaphore, #tpu.memory_space<semaphore_mem>>) src(%arg4 : memref<8192xf32, #tpu.memory_space<hbm>>) dst(%arg10 : memref<8192xf32, #tpu.memory_space<vmem_shared>>)
        tpu.yield
      }) : () -> ()
    } else {
    }
    %barrier3A = arith.constant 0 : index
    tpu.barrier barrier_id(%barrier3A)
    %run_scoped3A = arith.constant 0 : i32
    "tpu.region"() ({
      %run_scoped3A_70 = tpu.sem_alloc : memref<!tpu.dma_semaphore, #tpu.memory_space<semaphore_mem>>
      %dma_start3A_71 = arith.constant 0 : i32
      %dma_start3A_72 = tpu.memref_slice %arg7[%run_scoped3A, %dma_start3A_71] : memref<2x128xi32, #tpu.memory_space<vmem>> -> memref<1x128xi32, #tpu.memory_space<vmem>>
      %dma_start3A_73 = tpu.memref_squeeze %dma_start3A_72 : memref<1x128xi32, #tpu.memory_space<vmem>> -> memref<128xi32, #tpu.memory_space<vmem>>
      %dma_start3A_74 = arith.constant 0 : i32
      %dma_start3A_75 = tpu.memref_slice %arg10[%dma_start3A_74] : memref<8192xf32, #tpu.memory_space<vmem_shared>> -> memref<8192xf32, #tpu.memory_space<vmem_shared>>
      tpu.enqueue_indirect_dma source(%arg9 : memref<128xf32, #tpu.memory_space<vmem>>) target(%dma_start3A_75 : memref<8192xf32, #tpu.memory_space<vmem_shared>>) offsets(%dma_start3A_73 : memref<128xi32, #tpu.memory_space<vmem>>) semaphore(%run_scoped3A_70 : memref<!tpu.dma_semaphore, #tpu.memory_space<semaphore_mem>>) {add = true}
      %dma_wait3A_76 = arith.constant 0 : i32
      %dma_wait3A_77 = tpu.memref_slice %arg7[%run_scoped3A, %dma_wait3A_76] : memref<2x128xi32, #tpu.memory_space<vmem>> -> memref<1x128xi32, #tpu.memory_space<vmem>>
      %dma_wait3A_78 = tpu.memref_squeeze %dma_wait3A_77 : memref<1x128xi32, #tpu.memory_space<vmem>> -> memref<128xi32, #tpu.memory_space<vmem>>
      %dma_wait3A_79 = arith.constant 0 : i32
      %dma_wait3A_80 = tpu.memref_slice %arg10[%dma_wait3A_79] : memref<8192xf32, #tpu.memory_space<vmem_shared>> -> memref<8192xf32, #tpu.memory_space<vmem_shared>>
      tpu.wait_indirect_dma semaphore(%run_scoped3A_70 : memref<!tpu.dma_semaphore, #tpu.memory_space<semaphore_mem>>) src(%arg9 : memref<128xf32, #tpu.memory_space<vmem>>) dst(%dma_wait3A_80 : memref<8192xf32, #tpu.memory_space<vmem_shared>>)
      tpu.yield
    }) : () -> ()
    %run_scoped3A_38 = arith.constant 1 : i32
    "tpu.region"() ({
      %run_scoped3A_70 = tpu.sem_alloc : memref<!tpu.dma_semaphore, #tpu.memory_space<semaphore_mem>>
      %dma_start3A_71 = arith.constant 0 : i32
      %dma_start3A_72 = tpu.memref_slice %arg7[%run_scoped3A_38, %dma_start3A_71] : memref<2x128xi32, #tpu.memory_space<vmem>> -> memref<1x128xi32, #tpu.memory_space<vmem>>
      %dma_start3A_73 = tpu.memref_squeeze %dma_start3A_72 : memref<1x128xi32, #tpu.memory_space<vmem>> -> memref<128xi32, #tpu.memory_space<vmem>>
      %dma_start3A_74 = arith.constant 0 : i32
      %dma_start3A_75 = tpu.memref_slice %arg10[%dma_start3A_74] : memref<8192xf32, #tpu.memory_space<vmem_shared>> -> memref<8192xf32, #tpu.memory_space<vmem_shared>>
      tpu.enqueue_indirect_dma source(%arg9 : memref<128xf32, #tpu.memory_space<vmem>>) target(%dma_start3A_75 : memref<8192xf32, #tpu.memory_space<vmem_shared>>) offsets(%dma_start3A_73 : memref<128xi32, #tpu.memory_space<vmem>>) semaphore(%run_scoped3A_70 : memref<!tpu.dma_semaphore, #tpu.memory_space<semaphore_mem>>) {add = true}
      %dma_wait3A_76 = arith.constant 0 : i32
      %dma_wait3A_77 = tpu.memref_slice %arg7[%run_scoped3A_38, %dma_wait3A_76] : memref<2x128xi32, #tpu.memory_space<vmem>> -> memref<1x128xi32, #tpu.memory_space<vmem>>
      %dma_wait3A_78 = tpu.memref_squeeze %dma_wait3A_77 : memref<1x128xi32, #tpu.memory_space<vmem>> -> memref<128xi32, #tpu.memory_space<vmem>>
      %dma_wait3A_79 = arith.constant 0 : i32
      %dma_wait3A_80 = tpu.memref_slice %arg10[%dma_wait3A_79] : memref<8192xf32, #tpu.memory_space<vmem_shared>> -> memref<8192xf32, #tpu.memory_space<vmem_shared>>
      tpu.wait_indirect_dma semaphore(%run_scoped3A_70 : memref<!tpu.dma_semaphore, #tpu.memory_space<semaphore_mem>>) src(%arg9 : memref<128xf32, #tpu.memory_space<vmem>>) dst(%dma_wait3A_80 : memref<8192xf32, #tpu.memory_space<vmem_shared>>)
      tpu.yield
    }) : () -> ()
    %dma_wait3A = arith.constant 0 : i32
    %dma_wait3A_39 = arith.constant 0 : i32
    %dma_wait3A_40 = arith.constant 0 : i32
    %dma_wait3A_41 = arith.constant 0 : i32
    %dma_wait3A_42 = tpu.memref_slice %arg8[%dma_wait3A_40, %dma_wait3A_41] : memref<256x256xf32, #tpu.memory_space<vmem>> -> memref<128x256xf32, #tpu.memory_space<vmem>>
    %dma_wait3A_43 = arith.constant 0 : i32
    %dma_wait3A_44 = tpu.memref_slice %arg7[%dma_wait3A, %dma_wait3A_43] : memref<2x128xi32, #tpu.memory_space<vmem>> -> memref<1x128xi32, #tpu.memory_space<vmem>>
    %dma_wait3A_45 = tpu.memref_squeeze %dma_wait3A_44 : memref<1x128xi32, #tpu.memory_space<vmem>> -> memref<128xi32, #tpu.memory_space<vmem>>
    %dma_wait3A_46 = arith.constant 0 : i32
    %dma_wait3A_47 = arith.constant 0 : i32
    %dma_wait3A_48 = tpu.memref_slice %arg2[%dma_wait3A_46, %dma_wait3A_47] : memref<8192x256xf32, #tpu.memory_space<hbm>> -> memref<8192x256xf32, #tpu.memory_space<hbm>>
    %dma_wait3A_49 = tpu.memref_slice %arg11[%dma_wait3A_39] : memref<2x!tpu.dma_semaphore, #tpu.memory_space<semaphore_mem>> -> memref<1x!tpu.dma_semaphore, #tpu.memory_space<semaphore_mem>>
    %dma_wait3A_50 = tpu.memref_squeeze %dma_wait3A_49 : memref<1x!tpu.dma_semaphore, #tpu.memory_space<semaphore_mem>> -> memref<!tpu.dma_semaphore, #tpu.memory_space<semaphore_mem>>
    tpu.wait_indirect_dma semaphore(%dma_wait3A_50 : memref<!tpu.dma_semaphore, #tpu.memory_space<semaphore_mem>>) src(%dma_wait3A_48 : memref<8192x256xf32, #tpu.memory_space<hbm>>) dst(%dma_wait3A_42 : memref<128x256xf32, #tpu.memory_space<vmem>>)
    %dma_wait3A_51 = arith.constant 1 : i32
    %dma_wait3A_52 = arith.constant 1 : i32
    %dma_wait3A_53 = arith.constant 128 : i32
    %dma_wait3A_54 = arith.constant 0 : i32
    %dma_wait3A_55 = tpu.memref_slice %arg8[%dma_wait3A_53, %dma_wait3A_54] : memref<256x256xf32, #tpu.memory_space<vmem>> -> memref<128x256xf32, #tpu.memory_space<vmem>>
    %dma_wait3A_56 = arith.constant 0 : i32
    %dma_wait3A_57 = tpu.memref_slice %arg7[%dma_wait3A_51, %dma_wait3A_56] : memref<2x128xi32, #tpu.memory_space<vmem>> -> memref<1x128xi32, #tpu.memory_space<vmem>>
    %dma_wait3A_58 = tpu.memref_squeeze %dma_wait3A_57 : memref<1x128xi32, #tpu.memory_space<vmem>> -> memref<128xi32, #tpu.memory_space<vmem>>
    %dma_wait3A_59 = arith.constant 0 : i32
    %dma_wait3A_60 = arith.constant 0 : i32
    %dma_wait3A_61 = tpu.memref_slice %arg2[%dma_wait3A_59, %dma_wait3A_60] : memref<8192x256xf32, #tpu.memory_space<hbm>> -> memref<8192x256xf32, #tpu.memory_space<hbm>>
    %dma_wait3A_62 = tpu.memref_slice %arg11[%dma_wait3A_52] : memref<2x!tpu.dma_semaphore, #tpu.memory_space<semaphore_mem>> -> memref<1x!tpu.dma_semaphore, #tpu.memory_space<semaphore_mem>>
    %dma_wait3A_63 = tpu.memref_squeeze %dma_wait3A_62 : memref<1x!tpu.dma_semaphore, #tpu.memory_space<semaphore_mem>> -> memref<!tpu.dma_semaphore, #tpu.memory_space<semaphore_mem>>
    tpu.wait_indirect_dma semaphore(%dma_wait3A_63 : memref<!tpu.dma_semaphore, #tpu.memory_space<semaphore_mem>>) src(%dma_wait3A_61 : memref<8192x256xf32, #tpu.memory_space<hbm>>) dst(%dma_wait3A_55 : memref<128x256xf32, #tpu.memory_space<vmem>>)
    "tpu.region"() ({
      %run_scoped3A_70 = tpu.sem_alloc : memref<!tpu.dma_semaphore, #tpu.memory_space<semaphore_mem>>
      %dma_start3A_71 = arith.constant 0 : i32
      %dma_start3A_72 = tpu.memref_slice %arg5[%mul3A_2, %dma_start3A_71] : memref<8192x256xf32, #tpu.memory_space<hbm>> -> memref<256x256xf32, #tpu.memory_space<hbm>>
      %dma_start3A_73 = arith.constant 0 : i32
      %dma_start3A_74 = tpu.memref_slice %arg5[%mul3A_2, %dma_start3A_73] : memref<8192x256xf32, #tpu.memory_space<hbm>> -> memref<256x256xf32, #tpu.memory_space<hbm>>
      tpu.enqueue_dma source(%arg8 : memref<256x256xf32, #tpu.memory_space<vmem>>) target(%dma_start3A_74 : memref<256x256xf32, #tpu.memory_space<hbm>>) target_semaphore(%run_scoped3A_70 : memref<!tpu.dma_semaphore, #tpu.memory_space<semaphore_mem>>)
      %dma_wait3A_75 = arith.constant 0 : i32
      %dma_wait3A_76 = tpu.memref_slice %arg5[%mul3A_2, %dma_wait3A_75] : memref<8192x256xf32, #tpu.memory_space<hbm>> -> memref<256x256xf32, #tpu.memory_space<hbm>>
      %dma_wait3A_77 = arith.constant 0 : i32
      %dma_wait3A_78 = tpu.memref_slice %arg5[%mul3A_2, %dma_wait3A_77] : memref<8192x256xf32, #tpu.memory_space<hbm>> -> memref<256x256xf32, #tpu.memory_space<hbm>>
      tpu.wait_dma2 semaphore(%run_scoped3A_70 : memref<!tpu.dma_semaphore, #tpu.memory_space<semaphore_mem>>) src(%arg8 : memref<256x256xf32, #tpu.memory_space<vmem>>) dst(%dma_wait3A_78 : memref<256x256xf32, #tpu.memory_space<hbm>>)
      tpu.yield
    }) : () -> ()
    %barrier3A_64 = arith.constant 0 : index
    tpu.barrier barrier_id(%barrier3A_64)
    %eq3A_65 = arith.constant 0 : i32
    %eq3A_66 = arith.cmpi eq, %arg1, %eq3A_65 : i32
    %convert_element_type3A_67 = arith.extui %eq3A_66 : i1 to i32
    %cond3A_68 = arith.constant 0 : i32
    %cond3A_69 = arith.cmpi ne, %convert_element_type3A_67, %cond3A_68 : i32
    scf.if %cond3A_69 {
      "tpu.region"() ({
        %run_scoped3A_70 = tpu.sem_alloc : memref<!tpu.dma_semaphore, #tpu.memory_space<semaphore_mem>>
        %dma_start3A_71 = arith.constant 0 : i32
        %dma_start3A_72 = tpu.memref_slice %arg6[%arg0, %dma_start3A_71] : memref<2x8192xf32, #tpu.memory_space<hbm>> -> memref<1x8192xf32, #tpu.memory_space<hbm>>
        %dma_start3A_73 = tpu.memref_squeeze %dma_start3A_72 : memref<1x8192xf32, #tpu.memory_space<hbm>> -> memref<8192xf32, #tpu.memory_space<hbm>>
        tpu.enqueue_dma source(%arg10 : memref<8192xf32, #tpu.memory_space<vmem_shared>>) target(%dma_start3A_73 : memref<8192xf32, #tpu.memory_space<hbm>>) target_semaphore(%run_scoped3A_70 : memref<!tpu.dma_semaphore, #tpu.memory_space<semaphore_mem>>)
        %dma_wait3A_74 = arith.constant 0 : i32
        %dma_wait3A_75 = tpu.memref_slice %arg6[%arg0, %dma_wait3A_74] : memref<2x8192xf32, #tpu.memory_space<hbm>> -> memref<1x8192xf32, #tpu.memory_space<hbm>>
        %dma_wait3A_76 = tpu.memref_squeeze %dma_wait3A_75 : memref<1x8192xf32, #tpu.memory_space<hbm>> -> memref<8192xf32, #tpu.memory_space<hbm>>
        tpu.wait_dma2 semaphore(%run_scoped3A_70 : memref<!tpu.dma_semaphore, #tpu.memory_space<semaphore_mem>>) src(%arg10 : memref<8192xf32, #tpu.memory_space<vmem_shared>>) dst(%dma_wait3A_76 : memref<8192xf32, #tpu.memory_space<hbm>>)
        tpu.yield
      }) : () -> ()
    } else {
    }
    return
  }
}

module attributes {stable_mosaic.version = 14 : i64} {
  func.func @_loss_perp_body(%arg0: i32, %arg1: memref<256x256xf32, #tpu.memory_space<vmem>>, %arg2: memref<256x256xf32, #tpu.memory_space<vmem>>, %arg3: memref<2x8192xf32, #tpu.memory_space<vmem>>, %arg4: memref<1x1xf32, #tpu.memory_space<vmem>>, %arg5: memref<1x1xf32, #tpu.memory_space<vmem>>, %arg6: memref<1x1xf32, #tpu.memory_space<vmem>>) attributes {dimension_semantics = [#tpu.dimension_semantics<arbitrary>], iteration_bounds = array<i64: 32>, scalar_prefetch = 0 : i64, scratch_operands = 1 : i64, tpu.core_type = #tpu.core_type<tc>, window_params = [{transform_indices = @transform_0, window_bounds = array<i64: 256, 256>}, {transform_indices = @transform_1, window_bounds = array<i64: 256, 256>}, {pipeline_mode = #tpu.pipeline_mode<synchronous>, transform_indices = @transform_2, window_bounds = array<i64: 2, 8192>}, {pipeline_mode = #tpu.pipeline_mode<synchronous>, transform_indices = @transform_3, window_bounds = array<i64: 1, 1>}, {pipeline_mode = #tpu.pipeline_mode<synchronous>, transform_indices = @transform_4, window_bounds = array<i64: 1, 1>}]} {
    %get3A = arith.constant 0 : index
    %get3A_0 = arith.constant 0 : index
    %get3A_1 = vector.load %arg1[%get3A, %get3A_0] : memref<256x256xf32, #tpu.memory_space<vmem>>, vector<256x256xf32>
    %get3A_2 = arith.constant 0 : index
    %get3A_3 = arith.constant 0 : index
    %get3A_4 = vector.load %arg2[%get3A_2, %get3A_3] : memref<256x256xf32, #tpu.memory_space<vmem>>, vector<256x256xf32>
    %sub3A = arith.subf %get3A_1, %get3A_4 : vector<256x256xf32>
    %mul3A = arith.mulf %sub3A, %sub3A : vector<256x256xf32>
    %reduce_sum3A = vector.shape_cast %mul3A : vector<256x256xf32> to vector<1x256x256xf32>
    %reduce_sum3A_5 = arith.constant dense<0.000000e+00> : vector<1xf32>
    %reduce_sum3A_6 = vector.multi_reduction <add>, %reduce_sum3A, %reduce_sum3A_5 [1, 2] : vector<1x256x256xf32> to vector<1xf32>
    %reduce_sum3A_7 = vector.shape_cast %reduce_sum3A_6 : vector<1xf32> to vector<1x1x1xf32>
    %reduce_sum3A_8 = vector.extract %reduce_sum3A_7[0, 0, 0] : f32 from vector<1x1x1xf32>
    %eq3A = arith.constant 0 : i32
    %eq3A_9 = arith.cmpi eq, %arg0, %eq3A : i32
    %convert_element_type3A = arith.extui %eq3A_9 : i1 to i32
    %cond3A = arith.constant 0 : i32
    %cond3A_10 = arith.cmpi ne, %convert_element_type3A, %cond3A : i32
    scf.if %cond3A_10 {
      %broadcast_in_dim3A = arith.constant 0.000000e+00 : f32
      %broadcast_in_dim3A_21 = vector.broadcast %broadcast_in_dim3A : f32 to vector<1x1xf32>
      %swap3A_22 = arith.constant 0 : index
      %swap3A_23 = arith.constant 0 : index
      %swap3A_24 = vector.load %arg6[%swap3A_22, %swap3A_23] : memref<1x1xf32, #tpu.memory_space<vmem>>, vector<1x1xf32>
      tpu.vector_store %arg6[%swap3A_22, %swap3A_23], %broadcast_in_dim3A_21 {strides = array<i32>} : memref<1x1xf32, #tpu.memory_space<vmem>>, vector<1x1xf32>,
    } else {
    }
    %get3A_11 = arith.constant 0 : index
    %get3A_12 = arith.constant 0 : index
    %get3A_13 = vector.load %arg6[%get3A_11, %get3A_12] : memref<1x1xf32, #tpu.memory_space<vmem>>, vector<1x1xf32>
    %reshape3A = vector.broadcast %reduce_sum3A_8 : f32 to vector<1x1xf32>
    %add3A = arith.addf %get3A_13, %reshape3A : vector<1x1xf32>
    %swap3A = arith.constant 0 : index
    %swap3A_14 = arith.constant 0 : index
    %swap3A_15 = vector.load %arg6[%swap3A, %swap3A_14] : memref<1x1xf32, #tpu.memory_space<vmem>>, vector<1x1xf32>
    tpu.vector_store %arg6[%swap3A, %swap3A_14], %add3A {strides = array<i32>} : memref<1x1xf32, #tpu.memory_space<vmem>>, vector<1x1xf32>,
    %eq3A_16 = arith.constant 31 : i32
    %eq3A_17 = arith.cmpi eq, %arg0, %eq3A_16 : i32
    %convert_element_type3A_18 = arith.extui %eq3A_17 : i1 to i32
    %cond3A_19 = arith.constant 0 : i32
    %cond3A_20 = arith.cmpi ne, %convert_element_type3A_18, %cond3A_19 : i32
    scf.if %cond3A_20 {
      %get3A_21 = arith.constant 0 : index
      %get3A_22 = arith.constant 0 : index
      %get3A_23 = vector.load %arg6[%get3A_21, %get3A_22] : memref<1x1xf32, #tpu.memory_space<vmem>>, vector<1x1xf32>
      %mul3A_24 = arith.constant 5.96046448E-7 : f32
      %mul3A_25 = vector.broadcast %mul3A_24 : f32 to vector<1x1xf32>
      %mul3A_26 = arith.mulf %get3A_23, %mul3A_25 : vector<1x1xf32>
      %swap3A_27 = arith.constant 0 : index
      %swap3A_28 = arith.constant 0 : index
      %swap3A_29 = vector.load %arg4[%swap3A_27, %swap3A_28] : memref<1x1xf32, #tpu.memory_space<vmem>>, vector<1x1xf32>
      tpu.vector_store %arg4[%swap3A_27, %swap3A_28], %mul3A_26 {strides = array<i32>} : memref<1x1xf32, #tpu.memory_space<vmem>>, vector<1x1xf32>,
      %get3A_30 = arith.constant 0 : index
      %get3A_31 = arith.constant 0 : index
      %get3A_32 = vector.load %arg3[%get3A_30, %get3A_31] : memref<2x8192xf32, #tpu.memory_space<vmem>>, vector<2x8192xf32>
      %reduce_sum3A_33 = arith.constant dense<0.000000e+00> : vector<8192xf32>
      %reduce_sum3A_34 = vector.multi_reduction <add>, %get3A_32, %reduce_sum3A_33 [0] : vector<2x8192xf32> to vector<8192xf32>
      %broadcast_in_dim3A = vector.shape_cast %reduce_sum3A_34 : vector<8192xf32> to vector<1x8192xf32>
      %mul3A_35 = arith.constant 1.22070313E-4 : f32
      %mul3A_36 = vector.broadcast %mul3A_35 : f32 to vector<1x8192xf32>
      %mul3A_37 = arith.mulf %broadcast_in_dim3A, %mul3A_36 : vector<1x8192xf32>
      %add3A_38 = arith.constant 1.000000e-10 : f32
      %add3A_39 = vector.broadcast %add3A_38 : f32 to vector<1x8192xf32>
      %add3A_40 = arith.addf %mul3A_37, %add3A_39 : vector<1x8192xf32>
      %log3A = math.log %add3A_40 : vector<1x8192xf32>
      %mul3A_41 = arith.mulf %mul3A_37, %log3A : vector<1x8192xf32>
      %reduce_sum3A_42 = vector.shape_cast %mul3A_41 : vector<1x8192xf32> to vector<1x1x8192xf32>
      %reduce_sum3A_43 = arith.constant dense<0.000000e+00> : vector<1xf32>
      %reduce_sum3A_44 = vector.multi_reduction <add>, %reduce_sum3A_42, %reduce_sum3A_43 [1, 2] : vector<1x1x8192xf32> to vector<1xf32>
      %reduce_sum3A_45 = vector.shape_cast %reduce_sum3A_44 : vector<1xf32> to vector<1x1x1xf32>
      %reduce_sum3A_46 = vector.extract %reduce_sum3A_45[0, 0, 0] : f32 from vector<1x1x1xf32>
      %neg3A = arith.constant 0.000000e+00 : f32
      %neg3A_47 = arith.subf %neg3A, %reduce_sum3A_46 : f32
      %exp3A = math.exp %neg3A_47 : f32
      %reshape3A_48 = vector.broadcast %exp3A : f32 to vector<1x1xf32>
      %swap3A_49 = arith.constant 0 : index
      %swap3A_50 = arith.constant 0 : index
      %swap3A_51 = vector.load %arg5[%swap3A_49, %swap3A_50] : memref<1x1xf32, #tpu.memory_space<vmem>>, vector<1x1xf32>
      tpu.vector_store %arg5[%swap3A_49, %swap3A_50], %reshape3A_48 {strides = array<i32>} : memref<1x1xf32, #tpu.memory_space<vmem>>, vector<1x1xf32>,
    } else {
    }
    return
  }
  func.func @transform_0(%arg0: i32) -> (i32, i32) {
    %c0_i32 = arith.constant 0 : i32
    %c0_i32_0 = arith.constant 0 : i32
    return %arg0, %c0_i32 : i32, i32
  }
  func.func @transform_1(%arg0: i32) -> (i32, i32) {
    %c0_i32 = arith.constant 0 : i32
    %c0_i32_0 = arith.constant 0 : i32
    return %arg0, %c0_i32 : i32, i32
  }
  func.func @transform_2(%arg0: i32) -> (i32, i32) {
    %c0_i32 = arith.constant 0 : i32
    %c0_i32_0 = arith.constant 0 : i32
    %c0_i32_1 = arith.constant 0 : i32
    return %c0_i32, %c0_i32_0 : i32, i32
  }
  func.func @transform_3(%arg0: i32) -> (i32, i32) {
    %c0_i32 = arith.constant 0 : i32
    %c0_i32_0 = arith.constant 0 : i32
    %c0_i32_1 = arith.constant 0 : i32
    return %c0_i32, %c0_i32_0 : i32, i32
  }
  func.func @transform_4(%arg0: i32) -> (i32, i32) {
    %c0_i32 = arith.constant 0 : i32
    %c0_i32_0 = arith.constant 0 : i32
    %c0_i32_1 = arith.constant 0 : i32
    return %c0_i32, %c0_i32_0 : i32, i32
  }
}

</mosaic_0001>

<sc_bundles>
// kernel: kernel.4.cloned.1.call-start
scs
__scs_entry_jumppad:
0x0: {  	(pc) =	sbr.rel $0x88, $3  }
0x1: {  	(tag) =	ssettag $0x0;
	lr =	simm.s32 $0x1  }
0x2: {  	[smem:$0x3F9F] =	sst lr;
	_ =	strace $0xD0000000  }
0x3: {  	_ = 	snop  }
0x4: {  	_ = 	snop  }
0x5: {  	_ = 	snop  }
0x6: {  	_ = 	snop  }
0x7: {  	_ = 	snop  }
__scs_overlays_trampoline_lowered:
0x8: {  	[smem:$0x3FAE] =	sst s0  }
0x9: {  	[smem:$0x3FAF] =	sst s1  }
0xa: {  	[smem:$0x3FB0] =	sst s2  }
0xb: {  	[smem:$0x3FB1] =	sst s3  }
0xc: {  	[smem:$0x3FB2] =	sst s4  }
0xd: {  	[smem:$0x3FB3] =	sst s5  }
0xe: {  	[smem:$0x3FB4] =	sst s6  }
0xf: {  	[smem:$0x3FB5] =	sst s7  }
0x10: {  	[smem:$0x3FB6] =	sst s8  }
0x11: {  	[smem:$0x3FB7] =	sst s9;
	s0 =	simm.s32 @!p0 $0x0  }
0x12: {  	s1 =	sld [smem:$0x3F9D];
	s0 =	simm.s32 @p0 $0x1  }
0x13: {  	[smem:$0x3FB8] =	sst s0;
	s0 =	simm.s32 @!p1 $0x0  }
0x14: {  	s2 =	sld [smem:$0x3F9C];
	s0 =	simm.s32 @p1 $0x1  }
0x15: {  	[smem:$0x3FB9] =	sst s0;
	s0 =	simm.s32 @!p2 $0x0  }
0x16: {  	s3 =	sld [smem:$0x3FDB];
	s0 =	simm.s32 @p2 $0x1  }
0x17: {  	s4 =	simm.s32 $0x1BF5;
	[smem:$0x3FBB] =	sst s0  }
0x18: {  	s0 =	sld [smem:$0x3F9E];
	_ =	swait.ge [sflag:s4], $0x0  }
0x19: {  	s7 =	sld [smem:$0x3F9F]  }
0x1a: {  	s8 =	sadd.s32 $0xFFFFE003, lr  }
0x1b: {  	s9 =	sadd.s32 $0xFFFFFEF7, lr;
	s5 =	simm.s32 $0xFFFFFFFF;
	p2 =	slt.u32 s8, $0xFFFFF086  }
0x1c: {  	p1 =	slt.u32 s9, $0xF7A;
	s5 =	simm.s32 @!p2 $0x0  }
0x1d: {  	s5 =	simm.s32 @p1 $0x1;
	p0 =	seq.s32 s7, s2  }
0x1e: {  	s7 =	smul.u32 @!p0 $0xF7A, s2;
	p2 =	seq.s32 @!p0 s5, $0x0  }
0x1f: {  	s9 =	smul.u32 $0xF7A, s1;
	s8 =	simm.s32 @!p0 $0x1BF5;
	p2 =	por !p2, p0  }
0x20: {  	[sflag:s8] =	ssyncset.s32 @!p0 $0xFFFFF086;
	s6 =	sadd.s32 @!p0 s3, s7;
	s7 =	simm.s32 @!p0 $0x108  }
0x21: {  	s3 =	sadd.s32 s3, s9;
	s6 =	sadd.s32 @!p0 $0x88, s6;
	s7 =	simm.s32 @p2 $0x1082  }
0x22: {  	[simem:s7], [sflag:s8] =	dma.local @!p0 [hbm:s6], $0xF7A  }
0x23: {  	s9 =	sor.u32 $0xD0000000, s2;
	s6 =	simm.s32 $0x108;
	_ =	swait.ge @!p0 [sflag:s8], $0x0  }
0x24: {  	s3 =	sadd.s32 $0x88, s3;
	s6 =	simm.s32 @!p1 $0x1082;
	[sflag:s4] =	ssyncset.s32 $0xFFFFF086  }
0x25: {  	[simem:s6], [sflag:s4] =	dma.local [hbm:s3], $0xF7A  }
0x26: {  	[smem:$0x3F9F] =	sst s1;
	(tag) =	ssettag s2;
	_ =	strace s9  }
0x27: {  	s1 =	sld [smem:$0x3FAF]  }
0x28: {  	s2 =	sld [smem:$0x3FB0]  }
0x29: {  	s4 =	sld [smem:$0x3FB2]  }
0x2a: {  	p0 =	seq.s32 s5, $0x0;
	s5 =	sld [smem:$0x3FB3]  }
0x2b: {  	s6 =	sld [smem:$0x3FB4]  }
0x2c: {  	s7 =	sld [smem:$0x3FB5]  }
0x2d: {  	s3 =	simm.s32 $0x108;
	s8 =	sld [smem:$0x3FB6]  }
0x2e: {  	s3 =	simm.s32 @!p0 $0x1082;
	s9 =	sld [smem:$0x3FB7]  }
0x2f: {  	lr =	sadd.s32 s0, s3;
	s0 =	sld [smem:$0x3FAE]  }
0x30: {  	s3 =	sld [smem:$0x3FB1]  }
0x31: {  	[smem:$0x3FBA] =	sst s10  }
0x32: {  	s10 =	sld [smem:$0x3FB8];
	_ =	sdelay $0x3  }
0x33: {  	p0 =	seq.s32 s10, $0x1;
	s10 =	sld [smem:$0x3FBA];
	_ =	sdelay $0x3  }
0x34: {  	[smem:$0x3FBA] =	sst s10  }
0x35: {  	s10 =	sld [smem:$0x3FB9];
	_ =	sdelay $0x3  }
0x36: {  	p1 =	seq.s32 s10, $0x1;
	s10 =	sld [smem:$0x3FBA];
	_ =	sdelay $0x3  }
0x37: {  	[smem:$0x3FBA] =	sst s10  }
0x38: {  	s10 =	sld [smem:$0x3FBB]  }
0x39: {  	_ = 	snop;
	(pc) =	sbr.ind lr, $3  }
0x3a: {  	_ = 	snop  }
0x3b: {  	_ = 	snop  }
0x3c: {  	p2 =	seq.s32 s10, $0x1;
	s10 =	sld [smem:$0x3FBA]  }
0x3d: {  	_ =	shalt  }
0x3e: {  	_ =	shalt  }
0x3f: {  	_ =	shalt  }
0x40: {  	_ =	shalt  }
0x41: {  	_ =	shalt  }
0x42: {  	_ =	shalt  }
0x43: {  	_ =	shalt  }
0x44: {  	_ =	shalt  }
0x45: {  	_ =	shalt  }
0x46: {  	_ =	shalt  }
0x47: {  	_ =	shalt  }
0x48: {  	_ =	shalt  }
0x49: {  	_ =	shalt  }
0x4a: {  	_ =	shalt  }
0x4b: {  	_ =	shalt  }
0x4c: {  	_ =	shalt  }
0x4d: {  	_ =	shalt  }
0x4e: {  	_ =	shalt  }
0x4f: {  	_ =	shalt  }
0x50: {  	_ =	shalt  }
0x51: {  	_ =	shalt  }
0x52: {  	_ =	shalt  }
0x53: {  	_ =	shalt  }
0x54: {  	_ =	shalt  }
0x55: {  	_ =	shalt  }
0x56: {  	_ =	shalt  }
0x57: {  	_ =	shalt  }
0x58: {  	_ =	shalt  }
0x59: {  	_ =	shalt  }
0x5a: {  	_ =	shalt  }
0x5b: {  	_ =	shalt  }
0x5c: {  	_ =	shalt  }
0x5d: {  	_ =	shalt  }
0x5e: {  	_ =	shalt  }
0x5f: {  	_ =	shalt  }
0x60: {  	_ =	shalt  }
0x61: {  	_ =	shalt  }
0x62: {  	_ =	shalt  }
0x63: {  	_ =	shalt  }
0x64: {  	_ =	shalt  }
0x65: {  	_ =	shalt  }
0x66: {  	_ =	shalt  }
0x67: {  	_ =	shalt  }
0x68: {  	_ =	shalt  }
0x69: {  	_ =	shalt  }
0x6a: {  	_ =	shalt  }
0x6b: {  	_ =	shalt  }
0x6c: {  	_ =	shalt  }
0x6d: {  	_ =	shalt  }
0x6e: {  	_ =	shalt  }
0x6f: {  	_ =	shalt  }
0x70: {  	_ =	shalt  }
0x71: {  	_ =	shalt  }
0x72: {  	_ =	shalt  }
0x73: {  	_ =	shalt  }
0x74: {  	_ =	shalt  }
0x75: {  	_ =	shalt  }
0x76: {  	_ =	shalt  }
0x77: {  	_ =	shalt  }
0x78: {  	_ =	shalt  }
0x79: {  	_ =	shalt  }
0x7a: {  	_ =	shalt  }
0x7b: {  	_ =	shalt  }
0x7c: {  	_ =	shalt  }
0x7d: {  	_ =	shalt  }
0x7e: {  	_ =	shalt  }
0x7f: {  	_ =	shalt  }
0x80: {  	_ =	shalt  }
0x81: {  	_ =	shalt  }
0x82: {  	_ =	shalt  }
0x83: {  	_ =	shalt  }
0x84: {  	_ =	shalt  }
0x85: {  	_ =	shalt  }
0x86: {  	_ =	shalt  }
0x87: {  	_ =	shalt  }
.Lfunc_end0:
.L_simem_size_0:
called_computation_lowered:
.L_overlay_start_0:
0x88: {  	s2 =	sld [smem:$0x3FD9]  }
0x89: {  	s3 =	sld [smem:$0x3FFE];
	_ =	sdelay $0x1  }
0x8a: {  	s1 =	srdreg.scid  }
0x8b: {  	s0 =	sand.u32 $0x1, s1  }
0x8c: {  	s14 =	sshll.u32 s0, $0xA;
	s2 =	sadd.s32 s3, s2  }
0x8d: {  	s2 =	sadd.s32 s2, s14  }
0x8e: {  	[smem:$0x3FC6] =	sst s2  }
0x8f: {  	_ = 	snop  }
0x90: {  	s2 =	sld [smem:$0x3FD0];
	_ =	sdelay $0x2  }
0x91: {  	s15 =	simm.s32 $0xA;
	s4 =	simm.s32 $0x10  }
0x92: {  	[smem:s4], [sflag:s15] =	dma.local [hbm:s2], $0x1  }
0x93: {  	_ =	swait.eq [sflag:s15], $0x1  }
0x94: {  	[sflag:s15] =	ssyncset.done $0x0  }
0x95: {  	[sflag:s15] =	ssyncadd.s32 $0xFFFFFFFF  }
0x96: {  	s16 =	sld [smem:$0x11];
	(tm) =	ssettm $0x1  }
0x97: {  	s17 =	sld [smem:$0x3FFB];
	_ =	sdelay $0x3  }
0x98: {  	_ =	strace s17  }
0x99: {  	s3 =	sld [smem:$0x3FFC];
	_ =	sdelay $0x3  }
0x9a: {  	_ =	strace s3  }
0x9b: {  	s3 =	sld [smem:$0x3FFD];
	_ =	sdelay $0x3  }
0x9c: {  	_ =	strace s3  }
0x9d: {  	_ =	strace $0x8FFFFFFF  }
0x9e: {  	s18 =	sld [smem:$0x3FDB];
	_ =	sdelay $0x1  }
0x9f: {  	s19 =	simm.s32 $_scs_section_size  }
0xa0: {  	s5 =	simm.s32 $_size__tile_overlayer_lowered;
	s6 =	simm.s32 $_tile_overlayer_lowered  }
0xa1: {  	s22 =	simm.s32 $0x1BFF;
	s21 =	sshll.u32 s6, $0x1;
	s3 =	sadd.s32 s19, s18  }
0xa2: {  	s7 =	simm.s32 $0x0;
	s20 =	sshll.u32 s5, $0x1;
	s5 =	sadd.s32 s21, s3  }
0xa3: {  	[timem:s7], [sflag:s22] =	dma.local [hbm:s5], s20  }
0xa4: {  	_ =	swait.ge [sflag:s22], s20  }
0xa5: {  	s4 =	ssub.s32 $0x0, s20;
	[sflag:s22] =	ssyncset.done $0x0  }
0xa6: {  	[sflag:s22] =	ssyncadd.s32 s4;
	_ =	sdelay $0x1  }
0xa7: {  	s23 =	simm.s32 $0x1B8B  }
0xa8: {  	_ =	swait.ge [sflag:s23], $0x1  }
0xa9: {  	[sflag:s23] =	ssyncset.done $0x0  }
0xaa: {  	s25 =	simm.s32 $0x1B8E;
	s24 =	sld [smem:$0x3FFE];
	[sflag:s23] =	ssyncadd.s32 $0xFFFFFFFF  }
0xab: {  	s26 =	simm.s32 $execute0_lowered;
	[smem:$0x3FD2] =	sst s25  }
0xac: {  	s5 =	sshll.u32 s26, $0x1;
	_ =	strace $0x80000046;
	[dreg:$0x1] =	wrdreg $0xFFFFFFFF  }
0xad: {  	s28 =	simm.s32 $_size_execute0_lowered;
	s3 =	sadd.s32 s3, s5;
	[dreg:$0x0] =	wrdreg $0x0  }
0xae: {  	s5 =	sshll.u32 s28, $0x1;
	[dreg:$0x2] =	wrdreg s3  }
0xaf: {  	[dreg:$0x3] =	wrdreg s5  }
0xb0: {  	[dreg:$0x4] =	wrdreg $0xC0  }
0xb1: {  	_ =	task [dreg:s7], $0x5FFFF  }
0xb2: {  	[dreg:$0x1] =	wrdreg $0xFFFFFFFF  }
0xb3: {  	[dreg:$0x0] =	wrdreg $0x60  }
0xb4: {  	[dreg:$0x2] =	wrdreg s24  }
0xb5: {  	[dreg:$0x3] =	wrdreg s16  }
0xb6: {  	[dreg:$0x4] =	wrdreg $0x101800  }
0xb7: {  	[dreg:$0x5] =	wrdreg $0x9  }
0xb8: {  	_ =	task.clear_ibuf [dreg:s7], $0x6FFFF;
	_ =	strace $0x90000046  }
0xb9: {  	s29 =	simm.s32 $0x9;
	_ =	strace $0x80000048  }
0xba: {  	_ =	swait.ge [sflag:s29], $0x1  }
0xbb: {  	[sflag:s29] =	ssyncadd.s32 $0xFFFFFFFF  }
0xbc: {  	_ =	strace $0x90000048  }
0xbd: {  	_ =	sfence  }
0xbe: {  	s30 =	sld [smem:$0x0];
	_ =	sdelay $0x2  }
0xbf: {  	s31 =	sshll.u32 s1, $0xD;
	s1 =	sshrl.u32 s1, $0x2  }
0xc0: {  	s3 =	sand.u32 $0x4000, s31;
	s1 =	sadd.s32 s1, s30  }
0xc1: {  	s0 =	sor.u32 s3, s0;
	s1 =	sshll.u32 s1, $0x11  }
0xc2: {  	s0 =	sor.u32 s1, s0  }
0xc3: {  	s0 =	sadd.s32 $0x8F2B, s0  }
0xc4: {  	[sflag:s0] =	ssyncadd.remote.s32 $0x1  }
0xc5: {  	_ =	sfence.sel $0xFFFF  }
0xc6: {  	[dreg:$0x0] =	wrdreg $0xFFFFFFFF;
	(pc) =	sbr.abs _section_cstart, $3  }
0xc7: {  	[dreg:$0x1] =	wrdreg $0xFFFFFFFF  }
0xc8: {  	_ =	task.clear_ibuf [dreg:s7], $0x2FFFF;
	_ =	strace $0x9FFFFFFF  }
0xc9: {  	(tm) =	ssettm $0x7FFFFFFF  }
tec
execute0_lowered:
.L_overlay_start_1:
0x0: {  	(tag) =	ssettag $0x1  }
0x1: {  	s1 =	rddreg [dreg:$0x0]  }
0x2: {  	s4 =	rddreg [dreg:$0x1]  }
0x3: {  	s2 =	rddreg [dreg:$0x2];
	s3 =	simm.s32 $0x0  }
0x4: {  	[smem:$0x7FF] =	sst s3;
	s9 =	sadd.s32 $0x40400, s1  }
0x5: {  	s14 =	simm.s32 $0x900;
	_ =	strace $0x80000047;
	[dreg:$0x4] =	wrdreg s9  }
0x6: {  	s15 =	simm.s32 $0x1100;
	[dreg:$0x8] =	wrdreg s14  }
0x7: {  	s16 =	simm.s32 $0x1900;
	[dreg:$0x9] =	wrdreg s15  }
0x8: {  	s17 =	simm.s32 $0x2100;
	[dreg:$0xa] =	wrdreg s16  }
0x9: {  	s18 =	simm.s32 $0x2900;
	[dreg:$0xb] =	wrdreg s17  }
0xa: {  	s19 =	simm.s32 $0x3100;
	[dreg:$0xc] =	wrdreg s18  }
0xb: {  	s20 =	simm.s32 $0x3900;
	[dreg:$0xd] =	wrdreg s19  }
0xc: {  	s5 =	srdreg.scid;
	s21 =	simm.s32 $0x4100;
	[dreg:$0xe] =	wrdreg s20  }
0xd: {  	s6 =	stileid.u32;
	s22 =	simm.s32 $0x4900;
	[dreg:$0xf] =	wrdreg s21  }
0xe: {  	s23 =	simm.s32 $0x5100;
	s24 =	simm.s32 $0x5900;
	[dreg:$0x10] =	wrdreg s22  }
0xf: {  	s26 =	simm.s32 $0x6100;
	s28 =	simm.s32 $0x6900;
	[dreg:$0x11] =	wrdreg s23  }
0x10: {  	s29 =	simm.s32 $0x7100;
	s30 =	simm.s32 $0x7900;
	[dreg:$0x12] =	wrdreg s24  }
0x11: {  	s31 =	simm.s32 $0x8100;
	s10 =	simm.s32 $0xA100;
	[dreg:$0x13] =	wrdreg s26  }
0x12: {  	s11 =	simm.s32 $0xA900;
	s5 =	sand.u32 $0x1, s5;
	[dreg:$0x14] =	wrdreg s28  }
0x13: {  	s7 =	sshll.u32 s6, $0x1;
	p0 =	sne.s32 s6, $0x0;
	[dreg:$0x15] =	wrdreg s29  }
0x14: {  	s6 =	simm.s32 $0x100;
	s7 =	sor.u32 s5, s7;
	[dreg:$0x16] =	wrdreg s30  }
0x15: {  	s12 =	sshll.u32 s5, $0x4;
	s5 =	ssub.s32 $0x2, s5;
	[dreg:$0x17] =	wrdreg s31  }
0x16: {  	s14 =	simm.s32 $0xC100;
	s15 =	simm.s32 $0xC900;
	s16 =	simm.s32 $0xD100  }
0x17: {  	s17 =	simm.s32 $0xD900;
	s18 =	simm.s32 $0xE100;
	s19 =	simm.s32 $0xE900  }
0x18: {  	s20 =	simm.s32 $0xF100;
	s21 =	simm.s32 $0xF900;
	s22 =	simm.s32 $0x80  }
0x19: {  	s23 =	simm.s32 $0x10100;
	s24 =	simm.s32 $0x1;
	s8 =	sshll.u32 s7, $0x5  }
0x1a: {  	s7 =	sshll.u32 s7, $0xD;
	s9 =	sadd.s32 s12, s1;
	s25 =	sshrl.u32 s5, $0x1  }
0x1b: {  	s12 =	simm.s32 $0xB100;
	s8 =	sadd.s32 s8, s1;
	s4 =	sadd.s32 s4, s7  }
0x1c: {  	s13 =	sadd.s32 $0x40800, s9;
	s5 =	ssub.s32 s5, s25;
	s9 =	simm.s32 $0x9900  }
0x1d: {  	v2 =	vlaneseq.u32;
	s25 =	simm.s32 $0x2;
	s8 =	sadd.s32 $0x40000, s8;
	[dreg:$0x6] =	wrdreg s4  }
0x1e: {  	vm0 =	vmmov $0xffff;
	v3 =	vimm.f32 $1.000000000e+00;
	v1 =	vshrl.u32 v2, $0x3;
	[dreg:$0x7] =	wrdreg s13;
	s4 =	smax.u32 s5, $0x1;
	s5 =	simm.s32 $0x3  }
0x1f: {  	v0 =	vand.u32 $0x7, v2;
	v2 =	vor.u32 $0x8, v2;
	v1 =	vmul.u32 $0x8, v1;
	s13 =	simm.s32 $0xB900;
	[dreg:$0x5] =	wrdreg s8;
	s8 =	simm.s32 $0x9100  }
.LBB2_1:
0x20: {  	s26 =	rddreg [dreg:$0x5]  }
0x21: {  	[tilespmem:s3], [sflag:$0x3] =	stream.linear.gather [hbm4b:s26+s3], $0x100, $0x38;
	[tilespmem:$0x10380] =	vst v63  }
0x22: {  	_ =	swait.ge [sflag:s5], $0x100  }
0x23: {  	[sflag:s5] =	ssyncset.done $0x0  }
0x24: {  	[sflag:s5] =	ssyncadd.s32 $0xFFFFFF00  }
0x25: {  	v4 =	vld [tilespmem:$0x0];
	_ =	sdelay $0x4  }
0x26: {  	v5 =	vshll.u32 v4, $0x1  }
0x27: {  	v4 =	vand.u32 $0x7, v4;
	v5 =	vand.u32 $0xFFFFFFF0, v5  }
0x28: {  	v4 =	vor.u32 v4, v5  }
0x29: {  	v5 =	vperm.xlane v4, v0;
	_ =	sdelay $0x1  }
0x2a: {  	v4 =	vperm.xlane v4, v2;
	v5 =	vadd.s32 v1, v5;
	_ =	sdelay $0x1  }
0x2b: {  	v4 =	vadd.s32 v1, v4;
	_ =	sdelay $0x2  }
0x2c: {  	[tilespmem:s6], [sflag:$0x1] =	stream.indirect_vreg.gather [hbm4b:s1+s3], $0x80, v5, vm0, $0xb8;
	[tilespmem:$0x10380] =	vst v63  }
0x2d: {  	s0 =	rddreg [dreg:$0x8]  }
0x2e: {  	[tilespmem:s0], [sflag:$0x1] =	stream.indirect_vreg.gather [hbm4b:s1+s3], $0x80, v4, vm0, $0xb8;
	[tilespmem:$0x10380] =	vst v63  }
0x2f: {  	v4 =	vld [tilespmem:$0x10];
	_ =	sdelay $0x4  }
0x30: {  	v5 =	vshll.u32 v4, $0x1  }
0x31: {  	v4 =	vand.u32 $0x7, v4;
	v5 =	vand.u32 $0xFFFFFFF0, v5  }
0x32: {  	v4 =	vor.u32 v4, v5  }
0x33: {  	v5 =	vperm.xlane v4, v0;
	_ =	sdelay $0x1  }
0x34: {  	v4 =	vperm.xlane v4, v2;
	v5 =	vadd.s32 v1, v5;
	_ =	sdelay $0x1  }
0x35: {  	v4 =	vadd.s32 v1, v4;
	_ =	sdelay $0x1  }
0x36: {  	s7 =	rddreg [dreg:$0x9]  }
0x37: {  	[tilespmem:s7], [sflag:$0x1] =	stream.indirect_vreg.gather [hbm4b:s1+s3], $0x80, v5, vm0, $0xb8;
	[tilespmem:$0x10380] =	vst v63  }
0x38: {  	s28 =	rddreg [dreg:$0xa]  }
0x39: {  	[tilespmem:s28], [sflag:$0x1] =	stream.indirect_vreg.gather [hbm4b:s1+s3], $0x80, v4, vm0, $0xb8;
	[tilespmem:$0x10380] =	vst v63  }
0x3a: {  	v4 =	vld [tilespmem:$0x20];
	_ =	sdelay $0x4  }
0x3b: {  	v5 =	vshll.u32 v4, $0x1  }
0x3c: {  	v4 =	vand.u32 $0x7, v4;
	v5 =	vand.u32 $0xFFFFFFF0, v5  }
0x3d: {  	v4 =	vor.u32 v4, v5  }
0x3e: {  	v5 =	vperm.xlane v4, v0;
	_ =	sdelay $0x1  }
0x3f: {  	v4 =	vperm.xlane v4, v2;
	v5 =	vadd.s32 v1, v5;
	_ =	sdelay $0x1  }
0x40: {  	v4 =	vadd.s32 v1, v4;
	_ =	sdelay $0x1  }
0x41: {  	s29 =	rddreg [dreg:$0xb]  }
0x42: {  	[tilespmem:s29], [sflag:$0x1] =	stream.indirect_vreg.gather [hbm4b:s1+s3], $0x80, v5, vm0, $0xb8;
	[tilespmem:$0x10380] =	vst v63  }
0x43: {  	s30 =	rddreg [dreg:$0xc]  }
0x44: {  	[tilespmem:s30], [sflag:$0x1] =	stream.indirect_vreg.gather [hbm4b:s1+s3], $0x80, v4, vm0, $0xb8;
	[tilespmem:$0x10380] =	vst v63  }
0x45: {  	v4 =	vld [tilespmem:$0x30];
	_ =	sdelay $0x4  }
0x46: {  	v5 =	vshll.u32 v4, $0x1  }
0x47: {  	v4 =	vand.u32 $0x7, v4;
	v5 =	vand.u32 $0xFFFFFFF0, v5  }
0x48: {  	v4 =	vor.u32 v4, v5  }
0x49: {  	v5 =	vperm.xlane v4, v0;
	_ =	sdelay $0x1  }
0x4a: {  	v4 =	vperm.xlane v4, v2;
	v5 =	vadd.s32 v1, v5;
	_ =	sdelay $0x1  }
0x4b: {  	v4 =	vadd.s32 v1, v4;
	_ =	sdelay $0x1  }
0x4c: {  	s31 =	rddreg [dreg:$0xd]  }
0x4d: {  	[tilespmem:s31], [sflag:$0x1] =	stream.indirect_vreg.gather [hbm4b:s1+s3], $0x80, v5, vm0, $0xb8;
	[tilespmem:$0x10380] =	vst v63  }
0x4e: {  	s0 =	rddreg [dreg:$0xe]  }
0x4f: {  	[tilespmem:s0], [sflag:$0x1] =	stream.indirect_vreg.gather [hbm4b:s1+s3], $0x80, v4, vm0, $0xb8;
	[tilespmem:$0x10380] =	vst v63  }
0x50: {  	v4 =	vld [tilespmem:$0x40];
	_ =	sdelay $0x4  }
0x51: {  	v5 =	vshll.u32 v4, $0x1  }
0x52: {  	v4 =	vand.u32 $0x7, v4;
	v5 =	vand.u32 $0xFFFFFFF0, v5  }
0x53: {  	v4 =	vor.u32 v4, v5  }
0x54: {  	v5 =	vperm.xlane v4, v0;
	_ =	sdelay $0x1  }
0x55: {  	v4 =	vperm.xlane v4, v2;
	v5 =	vadd.s32 v1, v5;
	_ =	sdelay $0x1  }
0x56: {  	v4 =	vadd.s32 v1, v4;
	_ =	sdelay $0x1  }
0x57: {  	s7 =	rddreg [dreg:$0xf]  }
0x58: {  	[tilespmem:s7], [sflag:$0x1] =	stream.indirect_vreg.gather [hbm4b:s1+s3], $0x80, v5, vm0, $0xb8;
	[tilespmem:$0x10380] =	vst v63  }
0x59: {  	s29 =	rddreg [dreg:$0x10]  }
0x5a: {  	[tilespmem:s29], [sflag:$0x1] =	stream.indirect_vreg.gather [hbm4b:s1+s3], $0x80, v4, vm0, $0xb8;
	[tilespmem:$0x10380] =	vst v63  }
0x5b: {  	v4 =	vld [tilespmem:$0x50];
	_ =	sdelay $0x4  }
0x5c: {  	v5 =	vshll.u32 v4, $0x1  }
0x5d: {  	v4 =	vand.u32 $0x7, v4;
	v5 =	vand.u32 $0xFFFFFFF0, v5  }
0x5e: {  	v4 =	vor.u32 v4, v5  }
0x5f: {  	v5 =	vperm.xlane v4, v0;
	_ =	sdelay $0x1  }
0x60: {  	v4 =	vperm.xlane v4, v2;
	v5 =	vadd.s32 v1, v5;
	_ =	sdelay $0x1  }
0x61: {  	v4 =	vadd.s32 v1, v4;
	_ =	sdelay $0x1  }
0x62: {  	s30 =	rddreg [dreg:$0x11]  }
0x63: {  	[tilespmem:s30], [sflag:$0x1] =	stream.indirect_vreg.gather [hbm4b:s1+s3], $0x80, v5, vm0, $0xb8;
	[tilespmem:$0x10380] =	vst v63  }
0x64: {  	s31 =	rddreg [dreg:$0x12]  }
0x65: {  	[tilespmem:s31], [sflag:$0x1] =	stream.indirect_vreg.gather [hbm4b:s1+s3], $0x80, v4, vm0, $0xb8;
	[tilespmem:$0x10380] =	vst v63  }
0x66: {  	v4 =	vld [tilespmem:$0x60];
	_ =	sdelay $0x4  }
0x67: {  	v5 =	vshll.u32 v4, $0x1  }
0x68: {  	v4 =	vand.u32 $0x7, v4;
	v5 =	vand.u32 $0xFFFFFFF0, v5  }
0x69: {  	v4 =	vor.u32 v4, v5  }
0x6a: {  	v5 =	vperm.xlane v4, v0;
	_ =	sdelay $0x1  }
0x6b: {  	v4 =	vperm.xlane v4, v2;
	v5 =	vadd.s32 v1, v5;
	_ =	sdelay $0x1  }
0x6c: {  	v4 =	vadd.s32 v1, v4;
	_ =	sdelay $0x1  }
0x6d: {  	s0 =	rddreg [dreg:$0x13]  }
0x6e: {  	[tilespmem:s0], [sflag:$0x1] =	stream.indirect_vreg.gather [hbm4b:s1+s3], $0x80, v5, vm0, $0xb8;
	[tilespmem:$0x10380] =	vst v63  }
0x6f: {  	s7 =	rddreg [dreg:$0x14]  }
0x70: {  	[tilespmem:s7], [sflag:$0x1] =	stream.indirect_vreg.gather [hbm4b:s1+s3], $0x80, v4, vm0, $0xb8;
	[tilespmem:$0x10380] =	vst v63  }
0x71: {  	v4 =	vld [tilespmem:$0x70];
	_ =	sdelay $0x4  }
0x72: {  	v5 =	vshll.u32 v4, $0x1  }
0x73: {  	v4 =	vand.u32 $0x7, v4;
	v5 =	vand.u32 $0xFFFFFFF0, v5  }
0x74: {  	v4 =	vor.u32 v4, v5  }
0x75: {  	v5 =	vperm.xlane v4, v0;
	_ =	sdelay $0x1  }
0x76: {  	v4 =	vperm.xlane v4, v2;
	v5 =	vadd.s32 v1, v5;
	_ =	sdelay $0x1  }
0x77: {  	v4 =	vadd.s32 v1, v4;
	_ =	sdelay $0x1  }
0x78: {  	s29 =	rddreg [dreg:$0x15]  }
0x79: {  	[tilespmem:s29], [sflag:$0x1] =	stream.indirect_vreg.gather [hbm4b:s1+s3], $0x80, v5, vm0, $0xb8;
	[tilespmem:$0x10380] =	vst v63  }
0x7a: {  	s30 =	rddreg [dreg:$0x16]  }
0x7b: {  	[tilespmem:s30], [sflag:$0x1] =	stream.indirect_vreg.gather [hbm4b:s1+s3], $0x80, v4, vm0, $0xb8;
	[tilespmem:$0x10380] =	vst v63  }
0x7c: {  	v4 =	vld [tilespmem:$0x80];
	_ =	sdelay $0x4  }
0x7d: {  	v5 =	vshll.u32 v4, $0x1  }
0x7e: {  	v4 =	vand.u32 $0x7, v4;
	v5 =	vand.u32 $0xFFFFFFF0, v5  }
0x7f: {  	v4 =	vor.u32 v4, v5  }
0x80: {  	v5 =	vperm.xlane v4, v0;
	_ =	sdelay $0x1  }
0x81: {  	v4 =	vperm.xlane v4, v2;
	v5 =	vadd.s32 v1, v5;
	_ =	sdelay $0x1  }
0x82: {  	v4 =	vadd.s32 v1, v4;
	_ =	sdelay $0x1  }
0x83: {  	s31 =	rddreg [dreg:$0x17]  }
0x84: {  	[tilespmem:s31], [sflag:$0x2] =	stream.indirect_vreg.gather [hbm4b:s1+s3], $0x80, v5, vm0, $0xb8;
	[tilespmem:$0x10380] =	vst v63  }
0x85: {  	s0 =	simm.s32 $0x8900  }
0x86: {  	[tilespmem:s0], [sflag:$0x2] =	stream.indirect_vreg.gather [hbm4b:s1+s3], $0x80, v4, vm0, $0xb8;
	[tilespmem:$0x10380] =	vst v63  }
0x87: {  	v4 =	vld [tilespmem:$0x90];
	_ =	sdelay $0x4  }
0x88: {  	v5 =	vshll.u32 v4, $0x1  }
0x89: {  	v4 =	vand.u32 $0x7, v4;
	v5 =	vand.u32 $0xFFFFFFF0, v5  }
0x8a: {  	v4 =	vor.u32 v4, v5  }
0x8b: {  	v5 =	vperm.xlane v4, v0;
	_ =	sdelay $0x1  }
0x8c: {  	v4 =	vperm.xlane v4, v2;
	v5 =	vadd.s32 v1, v5;
	_ =	sdelay $0x1  }
0x8d: {  	v4 =	vadd.s32 v1, v4;
	_ =	sdelay $0x2  }
0x8e: {  	[tilespmem:s8], [sflag:$0x2] =	stream.indirect_vreg.gather [hbm4b:s1+s3], $0x80, v5, vm0, $0xb8;
	[tilespmem:$0x10380] =	vst v63  }
0x8f: {  	_ = 	snop  }
0x90: {  	[tilespmem:s9], [sflag:$0x2] =	stream.indirect_vreg.gather [hbm4b:s1+s3], $0x80, v4, vm0, $0xb8;
	[tilespmem:$0x10380] =	vst v63  }
0x91: {  	v4 =	vld [tilespmem:$0xA0];
	_ =	sdelay $0x4  }
0x92: {  	v5 =	vshll.u32 v4, $0x1  }
0x93: {  	v4 =	vand.u32 $0x7, v4;
	v5 =	vand.u32 $0xFFFFFFF0, v5  }
0x94: {  	v4 =	vor.u32 v4, v5  }
0x95: {  	v5 =	vperm.xlane v4, v0;
	_ =	sdelay $0x1  }
0x96: {  	v4 =	vperm.xlane v4, v2;
	v5 =	vadd.s32 v1, v5;
	_ =	sdelay $0x1  }
0x97: {  	v4 =	vadd.s32 v1, v4;
	_ =	sdelay $0x2  }
0x98: {  	[tilespmem:s10], [sflag:$0x2] =	stream.indirect_vreg.gather [hbm4b:s1+s3], $0x80, v5, vm0, $0xb8;
	[tilespmem:$0x10380] =	vst v63  }
0x99: {  	_ = 	snop  }
0x9a: {  	[tilespmem:s11], [sflag:$0x2] =	stream.indirect_vreg.gather [hbm4b:s1+s3], $0x80, v4, vm0, $0xb8;
	[tilespmem:$0x10380] =	vst v63  }
0x9b: {  	v4 =	vld [tilespmem:$0xB0];
	_ =	sdelay $0x4  }
0x9c: {  	v5 =	vshll.u32 v4, $0x1  }
0x9d: {  	v4 =	vand.u32 $0x7, v4;
	v5 =	vand.u32 $0xFFFFFFF0, v5  }
0x9e: {  	v4 =	vor.u32 v4, v5  }
0x9f: {  	v5 =	vperm.xlane v4, v0;
	_ =	sdelay $0x1  }
0xa0: {  	v4 =	vperm.xlane v4, v2;
	v5 =	vadd.s32 v1, v5;
	_ =	sdelay $0x1  }
0xa1: {  	v4 =	vadd.s32 v1, v4;
	_ =	sdelay $0x2  }
0xa2: {  	[tilespmem:s12], [sflag:$0x2] =	stream.indirect_vreg.gather [hbm4b:s1+s3], $0x80, v5, vm0, $0xb8;
	[tilespmem:$0x10380] =	vst v63  }
0xa3: {  	_ = 	snop  }
0xa4: {  	[tilespmem:s13], [sflag:$0x2] =	stream.indirect_vreg.gather [hbm4b:s1+s3], $0x80, v4, vm0, $0xb8;
	[tilespmem:$0x10380] =	vst v63  }
0xa5: {  	v4 =	vld [tilespmem:$0xC0];
	_ =	sdelay $0x4  }
0xa6: {  	v5 =	vshll.u32 v4, $0x1  }
0xa7: {  	v4 =	vand.u32 $0x7, v4;
	v5 =	vand.u32 $0xFFFFFFF0, v5  }
0xa8: {  	v4 =	vor.u32 v4, v5  }
0xa9: {  	v5 =	vperm.xlane v4, v0;
	_ =	sdelay $0x1  }
0xaa: {  	v4 =	vperm.xlane v4, v2;
	v5 =	vadd.s32 v1, v5;
	_ =	sdelay $0x1  }
0xab: {  	v4 =	vadd.s32 v1, v4;
	_ =	sdelay $0x2  }
0xac: {  	[tilespmem:s14], [sflag:$0x2] =	stream.indirect_vreg.gather [hbm4b:s1+s3], $0x80, v5, vm0, $0xb8;
	[tilespmem:$0x10380] =	vst v63  }
0xad: {  	_ = 	snop  }
0xae: {  	[tilespmem:s15], [sflag:$0x2] =	stream.indirect_vreg.gather [hbm4b:s1+s3], $0x80, v4, vm0, $0xb8;
	[tilespmem:$0x10380] =	vst v63  }
0xaf: {  	v4 =	vld [tilespmem:$0xD0];
	_ =	sdelay $0x4  }
0xb0: {  	v5 =	vshll.u32 v4, $0x1  }
0xb1: {  	v4 =	vand.u32 $0x7, v4;
	v5 =	vand.u32 $0xFFFFFFF0, v5  }
0xb2: {  	v4 =	vor.u32 v4, v5  }
0xb3: {  	v5 =	vperm.xlane v4, v0;
	_ =	sdelay $0x1  }
0xb4: {  	v4 =	vperm.xlane v4, v2;
	v5 =	vadd.s32 v1, v5;
	_ =	sdelay $0x1  }
0xb5: {  	v4 =	vadd.s32 v1, v4;
	_ =	sdelay $0x2  }
0xb6: {  	[tilespmem:s16], [sflag:$0x2] =	stream.indirect_vreg.gather [hbm4b:s1+s3], $0x80, v5, vm0, $0xb8;
	[tilespmem:$0x10380] =	vst v63  }
0xb7: {  	_ = 	snop  }
0xb8: {  	[tilespmem:s17], [sflag:$0x2] =	stream.indirect_vreg.gather [hbm4b:s1+s3], $0x80, v4, vm0, $0xb8;
	[tilespmem:$0x10380] =	vst v63  }
0xb9: {  	v4 =	vld [tilespmem:$0xE0];
	_ =	sdelay $0x4  }
0xba: {  	v5 =	vshll.u32 v4, $0x1  }
0xbb: {  	v4 =	vand.u32 $0x7, v4;
	v5 =	vand.u32 $0xFFFFFFF0, v5  }
0xbc: {  	v4 =	vor.u32 v4, v5  }
0xbd: {  	v5 =	vperm.xlane v4, v0;
	_ =	sdelay $0x1  }
0xbe: {  	v4 =	vperm.xlane v4, v2;
	v5 =	vadd.s32 v1, v5;
	_ =	sdelay $0x1  }
0xbf: {  	v4 =	vadd.s32 v1, v4;
	_ =	sdelay $0x2  }
0xc0: {  	[tilespmem:s18], [sflag:$0x2] =	stream.indirect_vreg.gather [hbm4b:s1+s3], $0x80, v5, vm0, $0xb8;
	[tilespmem:$0x10380] =	vst v63  }
0xc1: {  	_ = 	snop  }
0xc2: {  	[tilespmem:s19], [sflag:$0x2] =	stream.indirect_vreg.gather [hbm4b:s1+s3], $0x80, v4, vm0, $0xb8;
	[tilespmem:$0x10380] =	vst v63  }
0xc3: {  	v4 =	vld [tilespmem:$0xF0];
	_ =	sdelay $0x4  }
0xc4: {  	v5 =	vshll.u32 v4, $0x1  }
0xc5: {  	v4 =	vand.u32 $0x7, v4;
	v5 =	vand.u32 $0xFFFFFFF0, v5  }
0xc6: {  	v4 =	vor.u32 v4, v5  }
0xc7: {  	v5 =	vperm.xlane v4, v0;
	_ =	sdelay $0x1  }
0xc8: {  	v4 =	vperm.xlane v4, v2;
	v5 =	vadd.s32 v1, v5;
	_ =	sdelay $0x1  }
0xc9: {  	v4 =	vadd.s32 v1, v4;
	_ =	sdelay $0x2  }
0xca: {  	[tilespmem:s20], [sflag:$0x2] =	stream.indirect_vreg.gather [hbm4b:s1+s3], $0x80, v5, vm0, $0xb8;
	[tilespmem:$0x10380] =	vst v63  }
0xcb: {  	_ = 	snop  }
0xcc: {  	[tilespmem:s21], [sflag:$0x2] =	stream.indirect_vreg.gather [hbm4b:s1+s3], $0x80, v4, vm0, $0xb8;
	[tilespmem:$0x10380] =	vst v63  }
0xcd: {  	[tilespmem:$0x10100] =	vst v3  }
0xce: {  	[tilespmem:$0x10110] =	vst v3  }
0xcf: {  	[tilespmem:$0x10120] =	vst v3  }
0xd0: {  	[tilespmem:$0x10130] =	vst v3  }
0xd1: {  	[tilespmem:$0x10140] =	vst v3  }
0xd2: {  	[tilespmem:$0x10150] =	vst v3  }
0xd3: {  	[tilespmem:$0x10160] =	vst v3  }
0xd4: {  	s26 =	rddreg [dreg:$0x4];
	s28 =	sshrl.u32 @!p0 s2, $0x3;
	s29 =	simm.s32 @!p0 $0x1C03;
	[tilespmem:$0x10170] =	vst v3  }
0xd5: {  	[spmem:s28], [sflag:s29] =	dma.local @!p0 [hbm:s26], $0x400  }
0xd6: {  	s26 =	simm.s32 @!p0 $0x3  }
0xd7: {  	_ =	swait.ge @!p0 [sflag:s26], $0x400  }
0xd8: {  	[sflag:s26] =	ssyncset.done @!p0 $0x0  }
0xd9: {  	[sflag:s26] =	ssyncadd.s32 @!p0 $0xFFFFFC00  }
0xda: {  	[bflag:$0x0] =	sbarrier.arrive $0xFFFF  }
0xdb: {  	[spmem:s2] =	stream.indirect.scatter.add.f32 [tilespmem:s23], [sflag:$0x3], $0x1, s3, s22, $0xb8;
	[tilespmem:$0x10380] =	vst v63  }
0xdc: {  	_ =	swait.ge [sflag:s5], $0x80  }
0xdd: {  	[sflag:s5] =	ssyncset.done $0x0  }
0xde: {  	[sflag:s5] =	ssyncadd.s32 $0xFFFFFF80  }
0xdf: {  	[spmem:s2] =	stream.indirect.scatter.add.f32 [tilespmem:s23], [sflag:$0x3], $0x1, s22, s22, $0xb8;
	[tilespmem:$0x10380] =	vst v63  }
0xe0: {  	_ =	swait.ge [sflag:s5], $0x80  }
0xe1: {  	[sflag:s5] =	ssyncset.done $0x0  }
0xe2: {  	[sflag:s5] =	ssyncadd.s32 $0xFFFFFF80  }
0xe3: {  	_ =	swait.ge [sflag:s24], $0x8000  }
0xe4: {  	[sflag:s24] =	ssyncset.done $0x0  }
0xe5: {  	[sflag:s24] =	ssyncadd.s32 $0xFFFF8000  }
0xe6: {  	_ =	swait.ge [sflag:s25], $0x8000  }
0xe7: {  	[sflag:s25] =	ssyncset.done $0x0  }
0xe8: {  	s30 =	rddreg [dreg:$0x6];
	[sflag:s25] =	ssyncadd.s32 $0xFFFF8000  }
0xe9: {  	[hbm4b:s30+s3] =	stream.linear.scatter [tilespmem:s6], [sflag:$0x3], $0x10000, $0x38;
	[tilespmem:$0x10380] =	vst v63  }
0xea: {  	_ =	swait.ge [sflag:s5], $0x10000  }
0xeb: {  	s4 =	sadd.s32 $0xFFFFFFFF, s4;
	[sflag:s5] =	ssyncset.done $0x0  }
0xec: {  	p1 =	sne.s32 s4, $0x0;
	[sflag:s5] =	ssyncadd.s32 $0xFFFF0000  }
0xed: {  	s7 =	simm.s32 @!p0 $0x10;
	s31 =	simm.s32 @!p0 $0x1;
	[bflag:$0x0] =	sbarrier.arrive $0xFFFF  }
.Ltmp0:
0xee: {  	s0 =	simm.s32 @!p0 $0x20;
	s30 =	rddreg [dreg:$0x7];
	(pc) =	sbr.rel @p1 .LBB2_1-.Ltmp0, $4  }
0xef: {  	[hbm:s30@s0], [sflag:s29] =	dma.strided @!p0 [spmem:s28@s7], $0x400, s31, $0x10   }
0xf0: {  	_ =	swait.ge @!p0 [sflag:s26], $0x400  }
0xf1: {  	[sflag:s26] =	ssyncset.done @!p0 $0x0  }
0xf2: {  	[sflag:s26] =	ssyncadd.s32 @!p0 $0xFFFFFC00  }
0xf3: {  	_ =	sfence.sel $0x180000  }
0xf4: {  	[bflag:$0x0] =	sbarrier.arrive $0xFFFF  }
0xf5: {  	_ =	strace $0x90000047  }
0xf6: {  	[bflag:$0x2] =	sbarrier.arrive $0xFFFF  }
0xf7: {  	s0 =	rddreg [dreg:$0x3]  }
0xf8: {  	s0 =	sadd.s32 @!p0 $0x100000, s0  }
0xf9: {  	[sflag:s0] =	ssyncadd.tile.s32 @!p0 $0x1;
	_ =	shalt  }
.Lfunc_end2:
_tile_overlayer_lowered:
.L_overlay_start_2:
0xfa: {  	(tag) =	ssettag $0x2  }
0xfb: {  	s0 =	rddreg [dreg:$0x0];
	s2 =	stileid.u32  }
0xfc: {  	s1 =	rddreg [dreg:$0x1];
	p0 =	sne.s32 s2, $0x0  }
0xfd: {  	s3 =	rddreg [dreg:$0x2];
	[bflag:$0x3] =	sbarrier.arrive $0xFFFF;
	s2 =	simm.s32 @!p0 $0x1C03  }
0xfe: {  	[timem:s3], [sflag:s2] =	dma.local @!p0 [hbm:s0], s1  }
0xff: {  	s0 =	simm.s32 @!p0 $0x3  }
0x100: {  	_ =	swait.ge @!p0 [sflag:s0], s1  }
0x101: {  	s1 =	ssub.s32 @!p0 $0x0, s1;
	[sflag:s0] =	ssyncset.done @!p0 $0x0  }
0x102: {  	[sflag:s0] =	ssyncadd.s32 @!p0 s1  }
0x103: {  	[bflag:$0x3] =	sbarrier.arrive $0xFFFF  }
0x104: {  	_ =	shalt  }

</sc_bundles>
